<compile_context>
chip_gen: v7x
topology: tpu7x:2x2x1
jax: 0.10.2.dev20260603
libtpu: 0.0.44.dev20260713+nightly
codegen_flags: <defaults>
</compile_context>

<pallas_src>
import jax
import jax.numpy as jnp
from jax.experimental import pallas as pl

_PRE_NMS_TOP_N = 2000
_POST_NMS_TOP_N = 500
_NMS_THRESH = 0.7


def _decode_nms_kernel(scores_ref, deltas_ref, anchors_ref, props_ref, keep_ref):
    an = anchors_ref[...]
    dl = deltas_ref[...]
    xa, ya, za = an[0:1], an[1:2], an[2:3]
    wa, la, ha = an[3:4], an[4:5], an[5:6]
    ra = an[6:7]
    xt, yt, zt = dl[0:1], dl[1:2], dl[2:3]
    wt, lt, ht = dl[3:4], dl[4:5], dl[5:6]
    rt = dl[6:7]
    diag = jnp.sqrt(wa * wa + la * la)
    x = xt * diag + xa
    y = yt * diag + ya
    z = zt * ha + za
    w = jnp.exp(wt) * wa
    l = jnp.exp(lt) * la
    h = jnp.exp(ht) * ha
    r = rt + ra
    props_ref[...] = jnp.concatenate([x, y, z, w, l, h, r], axis=0)

    x1 = x - w * 0.5
    x2 = x + w * 0.5
    y1 = y - l * 0.5
    y2 = y + l * 0.5
    area = w * l
    iota = jax.lax.broadcasted_iota(jnp.int32, x.shape, 1)
    packed = jnp.concatenate([x1, x2, y1, y2, area], axis=0)

    def body(i, keep):
        m = iota == i
        s = jnp.sum(jnp.where(m, packed, 0.0), axis=1, keepdims=True)
        xi1 = s[0:1]
        xi2 = s[1:2]
        yi1 = s[2:3]
        yi2 = s[3:4]
        ai = s[4:5]
        ki = jnp.sum(jnp.where(m, keep, 0.0))
        iw = jnp.clip(jnp.minimum(xi2, x2) - jnp.maximum(xi1, x1), 0.0)
        ih = jnp.clip(jnp.minimum(yi2, y2) - jnp.maximum(yi1, y1), 0.0)
        inter = iw * ih
        iou = inter / (ai + area - inter + 1e-9)
        sup = (iou > _NMS_THRESH) & (iota > i) & (ki > 0.5)
        return jnp.where(sup, 0.0, keep)

    keep = jax.lax.fori_loop(0, x.shape[1], body,
                             jnp.ones(x.shape, dtype=jnp.float32))
    keep_ref[...] = keep
    del scores_ref


def kernel(objectness, box_regression, anchors_bbox3d):
    N, A, H, W = objectness.shape
    obj = jax.nn.sigmoid(jnp.transpose(objectness, (0, 2, 3, 1)).reshape(N, -1))
    breg = jnp.transpose(box_regression.reshape(N, A, 7, H, W),
                         (0, 3, 4, 1, 2)).reshape(N, -1, 7)
    num_anchors = A * H * W
    pre = min(_PRE_NMS_TOP_N, num_anchors)
    scores, topk_idx = jax.lax.top_k(obj, pre)
    deltas_t = jnp.take(breg[0], topk_idx[0], axis=0).T
    anchors_t = jnp.take(anchors_bbox3d.reshape(-1, 7), topk_idx[0], axis=0).T

    props, keep = pl.pallas_call(
        _decode_nms_kernel,
        out_shape=[
            jax.ShapeDtypeStruct((7, pre), jnp.float32),
            jax.ShapeDtypeStruct((1, pre), jnp.float32),
        ],
    )(scores, deltas_t, anchors_t)

    scores = scores[0]
    masked = jnp.where(keep[0] > 0.5, scores, -1e9)
    post = min(_POST_NMS_TOP_N, pre)
    _, inds = jax.lax.top_k(masked, post)
    boxes_out = jnp.take(props.T, inds, axis=0)
    scores_out = jnp.take(scores, inds, axis=0)
    return jnp.concatenate([boxes_out, scores_out[:, None]], axis=1)

# --- scband reference (transcript-rebuilt; emitter-appended) ---
"""Pipeline reference for scband-rpnpost-processor-21809843929142 (READ-ONLY COPY).

The authoritative reference and input builder live on the scoring server;
editing this copy changes nothing except your own understanding.
"""

import jax, jax.numpy as jnp
import numpy as np

PRE_NMS_TOP_N = 2000
POST_NMS_TOP_N = 500
NMS_THRESH = 0.7


def setup_inputs(seed: int = 0):
    key = jax.random.key(seed)
    k1, k2, k3 = jax.random.split(key, 3)
    objectness = jax.random.normal(k1, (1, 2, 50000, 1), dtype=jnp.float32)
    box_regression = jax.random.normal(k2, (1, 14, 50000, 1), dtype=jnp.float32) * 0.1
    u = jax.random.uniform(k3, (100000, 7), dtype=jnp.float32)
    centers = u[:, :3] * 40.0
    sizes = u[:, 3:6] * 2.0 + 0.5
    ry = u[:, 6:7] * 3.14159
    anchors_bbox3d = jnp.concatenate([centers, sizes, ry], axis=1)
    return {"objectness": objectness, "box_regression": box_regression, "anchors_bbox3d": anchors_bbox3d}


def box_decode(deltas, anchors):
    # SECOND-style 7-dof residual box coder decode (yx_zb mode)
    xa, ya, za, wa, la, ha, ra = [anchors[:, i] for i in range(7)]
    xt, yt, zt, wt, lt, ht, rt = [deltas[:, i] for i in range(7)]
    diag = jnp.sqrt(wa * wa + la * la)
    x = xt * diag + xa
    y = yt * diag + ya
    z = zt * ha + za
    w = jnp.exp(wt) * wa
    l = jnp.exp(lt) * la
    h = jnp.exp(ht) * ha
    r = rt + ra
    return jnp.stack([x, y, z, w, l, h, r], axis=1)


def bev_iou_matrix(boxes):
    x, y, w, l = boxes[:, 0], boxes[:, 1], boxes[:, 3], boxes[:, 4]
    x1, x2 = x - w * 0.5, x + w * 0.5
    y1, y2 = y - l * 0.5, y + l * 0.5
    area = w * l
    iw = jnp.clip(jnp.minimum(x2[:, None], x2[None, :]) - jnp.maximum(x1[:, None], x1[None, :]), 0.0)
    ih = jnp.clip(jnp.minimum(y2[:, None], y2[None, :]) - jnp.maximum(y1[:, None], y1[None, :]), 0.0)
    inter = iw * ih
    return inter / (area[:, None] + area[None, :] - inter + 1e-9)


def nms_keep(iou, thresh):
    n = iou.shape[0]
    iou = jax.lax.stop_gradient(iou)
    idx = jnp.arange(n)

    def body(i, keep):
        sup = (iou[i] > thresh) & (idx > i) & keep[i]
        return keep & (~sup)

    return jax.lax.fori_loop(0, n, body, jnp.ones((n,), dtype=bool))


def reference(objectness, box_regression, anchors_bbox3d):
    N, A, H, W = objectness.shape
    # objectness: N,A,H,W -> N,H,W,A -> N,-1 ; sigmoid
    obj = jax.nn.sigmoid(jnp.transpose(objectness, (0, 2, 3, 1)).reshape(N, -1))
    # box_regression: N,A*7,H,W -> N,A,7,H,W -> N,H,W,A,7 -> N,-1,7
    breg = jnp.transpose(box_regression.reshape(N, A, 7, H, W), (0, 3, 4, 1, 2)).reshape(N, -1, 7)
    num_anchors = A * H * W
    pre = min(PRE_NMS_TOP_N, num_anchors)
    scores, topk_idx = jax.lax.top_k(obj, pre)  # sorted=True
    breg_sel = jnp.take(breg[0], topk_idx[0], axis=0)
    anchors_sel = jnp.take(anchors_bbox3d.reshape(-1, 7), topk_idx[0], axis=0)
    proposals = box_decode(breg_sel, anchors_sel)
    scores = scores[0]
    iou = bev_iou_matrix(proposals)
    keep = nms_keep(iou, NMS_THRESH)
    masked = jnp.where(keep, scores, -1e9)
    post = min(POST_NMS_TOP_N, pre)
    _, inds = jax.lax.top_k(masked, post)
    boxes_out = jnp.take(proposals, inds, axis=0)
    scores_out = jnp.take(scores, inds, axis=0)
    return jnp.concatenate([boxes_out, scores_out[:, None]], axis=1)

if __name__ == "__main__":
    import jax
    _d = setup_inputs()
    print(jax.jit(kernel)(*tuple(_d.values())))

</pallas_src>

<mosaic_0001>
module attributes {stable_mosaic.version = 14 : i64} {
  func.func @_decode_nms_kernel(%arg0: memref<1x2000xf32, #tpu.memory_space<vmem>>, %arg1: memref<7x2000xf32, #tpu.memory_space<vmem>>, %arg2: memref<7x2000xf32, #tpu.memory_space<vmem>>, %arg3: memref<7x2000xf32, #tpu.memory_space<vmem>>, %arg4: memref<1x2000xf32, #tpu.memory_space<vmem>>) attributes {dimension_semantics = [], scalar_prefetch = 0 : i64, scratch_operands = 0 : i64, tpu.core_type = #tpu.core_type<tc>} {
    %get3A = arith.constant 0 : index
    %get3A_0 = arith.constant 0 : index
    %get3A_1 = vector.load %arg2[%get3A, %get3A_0] : memref<7x2000xf32, #tpu.memory_space<vmem>>, vector<7x2000xf32>
    %get3A_2 = arith.constant 0 : index
    %get3A_3 = arith.constant 0 : index
    %get3A_4 = vector.load %arg1[%get3A_2, %get3A_3] : memref<7x2000xf32, #tpu.memory_space<vmem>>, vector<7x2000xf32>
    %slice3A = vector.extract_strided_slice %get3A_1 {offsets = [0, 0], sizes = [1, 2000], strides = [1, 1]} : vector<7x2000xf32> to vector<1x2000xf32>
    %slice3A_5 = vector.extract_strided_slice %get3A_1 {offsets = [1, 0], sizes = [1, 2000], strides = [1, 1]} : vector<7x2000xf32> to vector<1x2000xf32>
    %slice3A_6 = vector.extract_strided_slice %get3A_1 {offsets = [2, 0], sizes = [1, 2000], strides = [1, 1]} : vector<7x2000xf32> to vector<1x2000xf32>
    %slice3A_7 = vector.extract_strided_slice %get3A_1 {offsets = [3, 0], sizes = [1, 2000], strides = [1, 1]} : vector<7x2000xf32> to vector<1x2000xf32>
    %slice3A_8 = vector.extract_strided_slice %get3A_1 {offsets = [4, 0], sizes = [1, 2000], strides = [1, 1]} : vector<7x2000xf32> to vector<1x2000xf32>
    %slice3A_9 = vector.extract_strided_slice %get3A_1 {offsets = [5, 0], sizes = [1, 2000], strides = [1, 1]} : vector<7x2000xf32> to vector<1x2000xf32>
    %slice3A_10 = vector.extract_strided_slice %get3A_1 {offsets = [6, 0], sizes = [1, 2000], strides = [1, 1]} : vector<7x2000xf32> to vector<1x2000xf32>
    %slice3A_11 = vector.extract_strided_slice %get3A_4 {offsets = [0, 0], sizes = [1, 2000], strides = [1, 1]} : vector<7x2000xf32> to vector<1x2000xf32>
    %slice3A_12 = vector.extract_strided_slice %get3A_4 {offsets = [1, 0], sizes = [1, 2000], strides = [1, 1]} : vector<7x2000xf32> to vector<1x2000xf32>
    %slice3A_13 = vector.extract_strided_slice %get3A_4 {offsets = [2, 0], sizes = [1, 2000], strides = [1, 1]} : vector<7x2000xf32> to vector<1x2000xf32>
    %slice3A_14 = vector.extract_strided_slice %get3A_4 {offsets = [3, 0], sizes = [1, 2000], strides = [1, 1]} : vector<7x2000xf32> to vector<1x2000xf32>
    %slice3A_15 = vector.extract_strided_slice %get3A_4 {offsets = [4, 0], sizes = [1, 2000], strides = [1, 1]} : vector<7x2000xf32> to vector<1x2000xf32>
    %slice3A_16 = vector.extract_strided_slice %get3A_4 {offsets = [5, 0], sizes = [1, 2000], strides = [1, 1]} : vector<7x2000xf32> to vector<1x2000xf32>
    %slice3A_17 = vector.extract_strided_slice %get3A_4 {offsets = [6, 0], sizes = [1, 2000], strides = [1, 1]} : vector<7x2000xf32> to vector<1x2000xf32>
    %mul3A = arith.mulf %slice3A_7, %slice3A_7 : vector<1x2000xf32>
    %mul3A_18 = arith.mulf %slice3A_8, %slice3A_8 : vector<1x2000xf32>
    %add3A = arith.addf %mul3A, %mul3A_18 : vector<1x2000xf32>
    %sqrt3A = math.sqrt %add3A : vector<1x2000xf32>
    %mul3A_19 = arith.mulf %slice3A_11, %sqrt3A : vector<1x2000xf32>
    %add3A_20 = arith.addf %mul3A_19, %slice3A : vector<1x2000xf32>
    %mul3A_21 = arith.mulf %slice3A_12, %sqrt3A : vector<1x2000xf32>
    %add3A_22 = arith.addf %mul3A_21, %slice3A_5 : vector<1x2000xf32>
    %mul3A_23 = arith.mulf %slice3A_13, %slice3A_9 : vector<1x2000xf32>
    %add3A_24 = arith.addf %mul3A_23, %slice3A_6 : vector<1x2000xf32>
    %exp3A = math.exp %slice3A_14 : vector<1x2000xf32>
    %mul3A_25 = arith.mulf %exp3A, %slice3A_7 : vector<1x2000xf32>
    %exp3A_26 = math.exp %slice3A_15 : vector<1x2000xf32>
    %mul3A_27 = arith.mulf %exp3A_26, %slice3A_8 : vector<1x2000xf32>
    %exp3A_28 = math.exp %slice3A_16 : vector<1x2000xf32>
    %mul3A_29 = arith.mulf %exp3A_28, %slice3A_9 : vector<1x2000xf32>
    %add3A_30 = arith.addf %slice3A_17, %slice3A_10 : vector<1x2000xf32>
    %concatenate3A = tpu.concatenate %add3A_20, %add3A_22, %add3A_24, %mul3A_25, %mul3A_27, %mul3A_29, %add3A_30 in 0 : vector<1x2000xf32>, vector<1x2000xf32>, vector<1x2000xf32>, vector<1x2000xf32>, vector<1x2000xf32>, vector<1x2000xf32>, vector<1x2000xf32> -> vector<7x2000xf32>
    %swap3A = arith.constant 0 : index
    %swap3A_31 = arith.constant 0 : index
    %swap3A_32 = vector.load %arg3[%swap3A, %swap3A_31] : memref<7x2000xf32, #tpu.memory_space<vmem>>, vector<7x2000xf32>
    tpu.vector_store %arg3[%swap3A, %swap3A_31], %concatenate3A {strides = array<i32>} : memref<7x2000xf32, #tpu.memory_space<vmem>>, vector<7x2000xf32>,
    %mul3A_33 = arith.constant 5.000000e-01 : f32
    %mul3A_34 = vector.broadcast %mul3A_33 : f32 to vector<1x2000xf32>
    %mul3A_35 = arith.mulf %mul3A_25, %mul3A_34 : vector<1x2000xf32>
    %sub3A = arith.subf %add3A_20, %mul3A_35 : vector<1x2000xf32>
    %mul3A_36 = arith.constant 5.000000e-01 : f32
    %mul3A_37 = vector.broadcast %mul3A_36 : f32 to vector<1x2000xf32>
    %mul3A_38 = arith.mulf %mul3A_25, %mul3A_37 : vector<1x2000xf32>
    %add3A_39 = arith.addf %add3A_20, %mul3A_38 : vector<1x2000xf32>
    %mul3A_40 = arith.constant 5.000000e-01 : f32
    %mul3A_41 = vector.broadcast %mul3A_40 : f32 to vector<1x2000xf32>
    %mul3A_42 = arith.mulf %mul3A_27, %mul3A_41 : vector<1x2000xf32>
    %sub3A_43 = arith.subf %add3A_22, %mul3A_42 : vector<1x2000xf32>
    %mul3A_44 = arith.constant 5.000000e-01 : f32
    %mul3A_45 = vector.broadcast %mul3A_44 : f32 to vector<1x2000xf32>
    %mul3A_46 = arith.mulf %mul3A_27, %mul3A_45 : vector<1x2000xf32>
    %add3A_47 = arith.addf %add3A_22, %mul3A_46 : vector<1x2000xf32>
    %mul3A_48 = arith.mulf %mul3A_25, %mul3A_27 : vector<1x2000xf32>
    %iota3A = tpu.iota {dimensions = array<i32: 1>} : vector<1x2000xi32>
    %concatenate3A_49 = tpu.concatenate %sub3A, %add3A_39, %sub3A_43, %add3A_47, %mul3A_48 in 0 : vector<1x2000xf32>, vector<1x2000xf32>, vector<1x2000xf32>, vector<1x2000xf32>, vector<1x2000xf32> -> vector<5x2000xf32>
    %broadcast_in_dim3A = arith.constant 1.000000e+00 : f32
    %broadcast_in_dim3A_50 = vector.broadcast %broadcast_in_dim3A : f32 to vector<1x2000xf32>
    %scan3A = arith.constant 0 : i32
    %scan3A_51 = arith.constant 2000 : i32
    %scan3A_52 = arith.addi %scan3A, %scan3A_51 : i32
    %scan3A_53 = arith.constant 1 : i32
    %scan3A_54 = scf.for %scan3A_59 = %scan3A to %scan3A_52 step %scan3A_53 iter_args(%scan3A_60 = %broadcast_in_dim3A_50) -> (vector<1x2000xf32>)  : i32 {
      %eq3A = vector.broadcast %scan3A_59 : i32 to vector<1x2000xi32>
      %eq3A_61 = arith.cmpi eq, %iota3A, %eq3A : vector<1x2000xi32>
      %jit3A = arith.constant 0.000000e+00 : f32
      %broadcast_in_dim3A_62 = vector.shape_cast %eq3A_61 : vector<1x2000xi1> to vector<1x2000xi1>
      %broadcast_in_dim3A_63 = vector.broadcast %broadcast_in_dim3A_62 : vector<1x2000xi1> to vector<5x2000xi1>
      %broadcast_in_dim3A_64 = vector.broadcast %jit3A : f32 to vector<5x2000xf32>
      %select_n3A = arith.select %broadcast_in_dim3A_63, %concatenate3A_49, %broadcast_in_dim3A_64 : vector<5x2000xi1>, vector<5x2000xf32>
      %reduce_sum3A = arith.constant dense<0.000000e+00> : vector<5xf32>
      %reduce_sum3A_65 = vector.multi_reduction <add>, %select_n3A, %reduce_sum3A [1] : vector<5x2000xf32> to vector<5xf32>
      %broadcast_in_dim3A_66 = vector.shape_cast %reduce_sum3A_65 : vector<5xf32> to vector<5x1xf32>
      %slice3A_67 = vector.extract_strided_slice %broadcast_in_dim3A_66 {offsets = [0, 0], sizes = [1, 1], strides = [1, 1]} : vector<5x1xf32> to vector<1x1xf32>
      %slice3A_68 = vector.extract_strided_slice %broadcast_in_dim3A_66 {offsets = [1, 0], sizes = [1, 1], strides = [1, 1]} : vector<5x1xf32> to vector<1x1xf32>
      %slice3A_69 = vector.extract_strided_slice %broadcast_in_dim3A_66 {offsets = [2, 0], sizes = [1, 1], strides = [1, 1]} : vector<5x1xf32> to vector<1x1xf32>
      %slice3A_70 = vector.extract_strided_slice %broadcast_in_dim3A_66 {offsets = [3, 0], sizes = [1, 1], strides = [1, 1]} : vector<5x1xf32> to vector<1x1xf32>
      %slice3A_71 = vector.extract_strided_slice %broadcast_in_dim3A_66 {offsets = [4, 0], sizes = [1, 1], strides = [1, 1]} : vector<5x1xf32> to vector<1x1xf32>
      %jit3A_72 = arith.constant 0.000000e+00 : f32
      %broadcast_in_dim3A_73 = vector.broadcast %jit3A_72 : f32 to vector<1x2000xf32>
      %select_n3A_74 = arith.select %eq3A_61, %scan3A_60, %broadcast_in_dim3A_73 : vector<1x2000xi1>, vector<1x2000xf32>
      %reduce_sum3A_75 = vector.shape_cast %select_n3A_74 : vector<1x2000xf32> to vector<1x1x2000xf32>
      %reduce_sum3A_76 = arith.constant dense<0.000000e+00> : vector<1xf32>
      %reduce_sum3A_77 = vector.multi_reduction <add>, %reduce_sum3A_75, %reduce_sum3A_76 [1, 2] : vector<1x1x2000xf32> to vector<1xf32>
      %reduce_sum3A_78 = vector.shape_cast %reduce_sum3A_77 : vector<1xf32> to vector<1x1x1xf32>
      %reduce_sum3A_79 = vector.extract %reduce_sum3A_78[0, 0, 0] : f32 from vector<1x1x1xf32>
      %min3A = vector.broadcast %slice3A_68 : vector<1x1xf32> to vector<1x2000xf32>
      %min3A_80 = arith.minimumf %min3A, %add3A_39 : vector<1x2000xf32>
      %max3A = vector.broadcast %slice3A_67 : vector<1x1xf32> to vector<1x2000xf32>
      %max3A_81 = arith.maximumf %max3A, %sub3A : vector<1x2000xf32>
      %sub3A_82 = arith.subf %min3A_80, %max3A_81 : vector<1x2000xf32>
      %jit3A_83 = arith.constant 0.000000e+00 : f32
      %max3A_84 = vector.broadcast %jit3A_83 : f32 to vector<1x2000xf32>
      %max3A_85 = arith.maximumf %max3A_84, %sub3A_82 : vector<1x2000xf32>
      %min3A_86 = vector.broadcast %slice3A_70 : vector<1x1xf32> to vector<1x2000xf32>
      %min3A_87 = arith.minimumf %min3A_86, %add3A_47 : vector<1x2000xf32>
      %max3A_88 = vector.broadcast %slice3A_69 : vector<1x1xf32> to vector<1x2000xf32>
      %max3A_89 = arith.maximumf %max3A_88, %sub3A_43 : vector<1x2000xf32>
      %sub3A_90 = arith.subf %min3A_87, %max3A_89 : vector<1x2000xf32>
      %jit3A_91 = arith.constant 0.000000e+00 : f32
      %max3A_92 = vector.broadcast %jit3A_91 : f32 to vector<1x2000xf32>
      %max3A_93 = arith.maximumf %max3A_92, %sub3A_90 : vector<1x2000xf32>
      %mul3A_94 = arith.mulf %max3A_85, %max3A_93 : vector<1x2000xf32>
      %add3A_95 = vector.broadcast %slice3A_71 : vector<1x1xf32> to vector<1x2000xf32>
      %add3A_96 = arith.addf %add3A_95, %mul3A_48 : vector<1x2000xf32>
      %sub3A_97 = arith.subf %add3A_96, %mul3A_94 : vector<1x2000xf32>
      %add3A_98 = arith.constant 9.99999971E-10 : f32
      %add3A_99 = vector.broadcast %add3A_98 : f32 to vector<1x2000xf32>
      %add3A_100 = arith.addf %sub3A_97, %add3A_99 : vector<1x2000xf32>
      %div3A = arith.divf %mul3A_94, %add3A_100 : vector<1x2000xf32>
      %gt3A = arith.constant 0.699999988 : f32
      %gt3A_101 = vector.broadcast %gt3A : f32 to vector<1x2000xf32>
      %gt3A_102 = arith.cmpf ogt, %div3A, %gt3A_101 : vector<1x2000xf32>
      %gt3A_103 = vector.broadcast %scan3A_59 : i32 to vector<1x2000xi32>
      %gt3A_104 = arith.cmpi sgt, %iota3A, %gt3A_103 : vector<1x2000xi32>
      %and3A = arith.andi %gt3A_102, %gt3A_104 : vector<1x2000xi1>
      %gt3A_105 = arith.constant 5.000000e-01 : f32
      %gt3A_106 = arith.cmpf ogt, %reduce_sum3A_79, %gt3A_105 : f32
      %and3A_107 = vector.broadcast %gt3A_106 : i1 to vector<1x2000xi1>
      %and3A_108 = arith.andi %and3A, %and3A_107 : vector<1x2000xi1>
      %jit3A_109 = arith.constant 0.000000e+00 : f32
      %broadcast_in_dim3A_110 = vector.broadcast %jit3A_109 : f32 to vector<1x2000xf32>
      %select_n3A_111 = arith.select %and3A_108, %broadcast_in_dim3A_110, %scan3A_60 : vector<1x2000xi1>, vector<1x2000xf32>
      scf.yield %select_n3A_111 : vector<1x2000xf32>
    }
    %scan3A_55 = arith.constant 2000 : i32
    %swap3A_56 = arith.constant 0 : index
    %swap3A_57 = arith.constant 0 : index
    %swap3A_58 = vector.load %arg4[%swap3A_56, %swap3A_57] : memref<1x2000xf32, #tpu.memory_space<vmem>>, vector<1x2000xf32>
    tpu.vector_store %arg4[%swap3A_56, %swap3A_57], %scan3A_54 {strides = array<i32>} : memref<1x2000xf32, #tpu.memory_space<vmem>>, vector<1x2000xf32>,
    return
  }
}

</mosaic_0001>

<sc_bundles>
// kernel: gather_offload_async_start.1
scs
__scs_entry_jumppad:
0x0: {  	(pc) =	sbr.rel $0x88, $3  }
0x1: {  	(tag) =	ssettag $0x0;
	lr =	simm.s32 $0x1  }
0x2: {  	[smem:$0x3F9E] =	sst lr;
	_ =	strace $0xD0000000  }
0x3: {  	_ = 	snop  }
0x4: {  	_ = 	snop  }
0x5: {  	_ = 	snop  }
0x6: {  	_ = 	snop  }
0x7: {  	_ = 	snop  }
__scs_overlays_trampoline_lowered:
0x8: {  	[smem:$0x3FAD] =	sst s0  }
0x9: {  	[smem:$0x3FAE] =	sst s1  }
0xa: {  	[smem:$0x3FAF] =	sst s2  }
0xb: {  	[smem:$0x3FB0] =	sst s3  }
0xc: {  	[smem:$0x3FB1] =	sst s4  }
0xd: {  	[smem:$0x3FB2] =	sst s5  }
0xe: {  	[smem:$0x3FB3] =	sst s6  }
0xf: {  	[smem:$0x3FB4] =	sst s7  }
0x10: {  	[smem:$0x3FB5] =	sst s8  }
0x11: {  	[smem:$0x3FB6] =	sst s9;
	s0 =	simm.s32 @!p0 $0x0  }
0x12: {  	s1 =	sld [smem:$0x3F9C];
	s0 =	simm.s32 @p0 $0x1  }
0x13: {  	[smem:$0x3FB7] =	sst s0;
	s0 =	simm.s32 @!p1 $0x0  }
0x14: {  	s2 =	sld [smem:$0x3F9B];
	s0 =	simm.s32 @p1 $0x1  }
0x15: {  	[smem:$0x3FB8] =	sst s0;
	s0 =	simm.s32 @!p2 $0x0  }
0x16: {  	s3 =	sld [smem:$0x3FDB];
	s0 =	simm.s32 @p2 $0x1  }
0x17: {  	s4 =	simm.s32 $0x1BF5;
	[smem:$0x3FBA] =	sst s0  }
0x18: {  	s0 =	sld [smem:$0x3F9D];
	_ =	swait.ge [sflag:s4], $0x0  }
0x19: {  	s7 =	sld [smem:$0x3F9E]  }
0x1a: {  	s8 =	sadd.s32 $0xFFFFE003, lr  }
0x1b: {  	s9 =	sadd.s32 $0xFFFFFEF7, lr;
	s5 =	simm.s32 $0xFFFFFFFF;
	p2 =	slt.u32 s8, $0xFFFFF086  }
0x1c: {  	p1 =	slt.u32 s9, $0xF7A;
	s5 =	simm.s32 @!p2 $0x0  }
0x1d: {  	s5 =	simm.s32 @p1 $0x1;
	p0 =	seq.s32 s7, s2  }
0x1e: {  	s7 =	smul.u32 @!p0 $0xF7A, s2;
	p2 =	seq.s32 @!p0 s5, $0x0  }
0x1f: {  	s9 =	smul.u32 $0xF7A, s1;
	s8 =	simm.s32 @!p0 $0x1BF5;
	p2 =	por !p2, p0  }
0x20: {  	[sflag:s8] =	ssyncset.s32 @!p0 $0xFFFFF086;
	s6 =	sadd.s32 @!p0 s3, s7;
	s7 =	simm.s32 @!p0 $0x108  }
0x21: {  	s3 =	sadd.s32 s3, s9;
	s6 =	sadd.s32 @!p0 $0x88, s6;
	s7 =	simm.s32 @p2 $0x1082  }
0x22: {  	[simem:s7], [sflag:s8] =	dma.local @!p0 [hbm:s6], $0xF7A  }
0x23: {  	s9 =	sor.u32 $0xD0000000, s2;
	s6 =	simm.s32 $0x108;
	_ =	swait.ge @!p0 [sflag:s8], $0x0  }
0x24: {  	s3 =	sadd.s32 $0x88, s3;
	s6 =	simm.s32 @!p1 $0x1082;
	[sflag:s4] =	ssyncset.s32 $0xFFFFF086  }
0x25: {  	[simem:s6], [sflag:s4] =	dma.local [hbm:s3], $0xF7A  }
0x26: {  	[smem:$0x3F9E] =	sst s1;
	(tag) =	ssettag s2;
	_ =	strace s9  }
0x27: {  	s1 =	sld [smem:$0x3FAE]  }
0x28: {  	s2 =	sld [smem:$0x3FAF]  }
0x29: {  	s4 =	sld [smem:$0x3FB1]  }
0x2a: {  	p0 =	seq.s32 s5, $0x0;
	s5 =	sld [smem:$0x3FB2]  }
0x2b: {  	s6 =	sld [smem:$0x3FB3]  }
0x2c: {  	s7 =	sld [smem:$0x3FB4]  }
0x2d: {  	s3 =	simm.s32 $0x108;
	s8 =	sld [smem:$0x3FB5]  }
0x2e: {  	s3 =	simm.s32 @!p0 $0x1082;
	s9 =	sld [smem:$0x3FB6]  }
0x2f: {  	lr =	sadd.s32 s0, s3;
	s0 =	sld [smem:$0x3FAD]  }
0x30: {  	s3 =	sld [smem:$0x3FB0]  }
0x31: {  	[smem:$0x3FB9] =	sst s10  }
0x32: {  	s10 =	sld [smem:$0x3FB7];
	_ =	sdelay $0x3  }
0x33: {  	p0 =	seq.s32 s10, $0x1;
	s10 =	sld [smem:$0x3FB9];
	_ =	sdelay $0x3  }
0x34: {  	[smem:$0x3FB9] =	sst s10  }
0x35: {  	s10 =	sld [smem:$0x3FB8];
	_ =	sdelay $0x3  }
0x36: {  	p1 =	seq.s32 s10, $0x1;
	s10 =	sld [smem:$0x3FB9];
	_ =	sdelay $0x3  }
0x37: {  	[smem:$0x3FB9] =	sst s10  }
0x38: {  	s10 =	sld [smem:$0x3FBA]  }
0x39: {  	_ = 	snop;
	(pc) =	sbr.ind lr, $3  }
0x3a: {  	_ = 	snop  }
0x3b: {  	_ = 	snop  }
0x3c: {  	p2 =	seq.s32 s10, $0x1;
	s10 =	sld [smem:$0x3FB9]  }
0x3d: {  	_ =	shalt  }
0x3e: {  	_ =	shalt  }
0x3f: {  	_ =	shalt  }
0x40: {  	_ =	shalt  }
0x41: {  	_ =	shalt  }
0x42: {  	_ =	shalt  }
0x43: {  	_ =	shalt  }
0x44: {  	_ =	shalt  }
0x45: {  	_ =	shalt  }
0x46: {  	_ =	shalt  }
0x47: {  	_ =	shalt  }
0x48: {  	_ =	shalt  }
0x49: {  	_ =	shalt  }
0x4a: {  	_ =	shalt  }
0x4b: {  	_ =	shalt  }
0x4c: {  	_ =	shalt  }
0x4d: {  	_ =	shalt  }
0x4e: {  	_ =	shalt  }
0x4f: {  	_ =	shalt  }
0x50: {  	_ =	shalt  }
0x51: {  	_ =	shalt  }
0x52: {  	_ =	shalt  }
0x53: {  	_ =	shalt  }
0x54: {  	_ =	shalt  }
0x55: {  	_ =	shalt  }
0x56: {  	_ =	shalt  }
0x57: {  	_ =	shalt  }
0x58: {  	_ =	shalt  }
0x59: {  	_ =	shalt  }
0x5a: {  	_ =	shalt  }
0x5b: {  	_ =	shalt  }
0x5c: {  	_ =	shalt  }
0x5d: {  	_ =	shalt  }
0x5e: {  	_ =	shalt  }
0x5f: {  	_ =	shalt  }
0x60: {  	_ =	shalt  }
0x61: {  	_ =	shalt  }
0x62: {  	_ =	shalt  }
0x63: {  	_ =	shalt  }
0x64: {  	_ =	shalt  }
0x65: {  	_ =	shalt  }
0x66: {  	_ =	shalt  }
0x67: {  	_ =	shalt  }
0x68: {  	_ =	shalt  }
0x69: {  	_ =	shalt  }
0x6a: {  	_ =	shalt  }
0x6b: {  	_ =	shalt  }
0x6c: {  	_ =	shalt  }
0x6d: {  	_ =	shalt  }
0x6e: {  	_ =	shalt  }
0x6f: {  	_ =	shalt  }
0x70: {  	_ =	shalt  }
0x71: {  	_ =	shalt  }
0x72: {  	_ =	shalt  }
0x73: {  	_ =	shalt  }
0x74: {  	_ =	shalt  }
0x75: {  	_ =	shalt  }
0x76: {  	_ =	shalt  }
0x77: {  	_ =	shalt  }
0x78: {  	_ =	shalt  }
0x79: {  	_ =	shalt  }
0x7a: {  	_ =	shalt  }
0x7b: {  	_ =	shalt  }
0x7c: {  	_ =	shalt  }
0x7d: {  	_ =	shalt  }
0x7e: {  	_ =	shalt  }
0x7f: {  	_ =	shalt  }
0x80: {  	_ =	shalt  }
0x81: {  	_ =	shalt  }
0x82: {  	_ =	shalt  }
0x83: {  	_ =	shalt  }
0x84: {  	_ =	shalt  }
0x85: {  	_ =	shalt  }
0x86: {  	_ =	shalt  }
0x87: {  	_ =	shalt  }
.Lfunc_end0:
.L_simem_size_0:
called_computation.1_lowered:
.L_overlay_start_0:
0x88: {  	s0 =	sld [smem:$0x3FD9]  }
0x89: {  	s1 =	sld [smem:$0x3FFE];
	_ =	sdelay $0x3  }
0x8a: {  	s0 =	sadd.s32 s1, s0  }
0x8b: {  	[smem:$0x3FC5] =	sst s0  }
0x8c: {  	_ = 	snop  }
0x8d: {  	s0 =	sld [smem:$0x3FD0];
	(tm) =	ssettm $0x1  }
0x8e: {  	s16 =	sld [smem:$0x3FFB];
	_ =	sdelay $0x3  }
0x8f: {  	_ =	strace s16  }
0x90: {  	s1 =	sld [smem:$0x3FFC];
	_ =	sdelay $0x3  }
0x91: {  	_ =	strace s1  }
0x92: {  	s1 =	sld [smem:$0x3FFD];
	_ =	sdelay $0x3  }
0x93: {  	_ =	strace s1  }
0x94: {  	_ =	strace $0x8FFFFFFF  }
0x95: {  	s17 =	sld [smem:$0x3FDB];
	_ =	sdelay $0x1  }
0x96: {  	s2 =	simm.s32 $_scs_section_size  }
0x97: {  	s3 =	simm.s32 $_size__tile_overlayer_lowered;
	s4 =	simm.s32 $_tile_overlayer_lowered  }
0x98: {  	s20 =	simm.s32 $0x1BFF;
	s19 =	sshll.u32 s4, $0x1;
	s1 =	sadd.s32 s2, s17  }
0x99: {  	s5 =	simm.s32 $0x0;
	s18 =	sshll.u32 s3, $0x1;
	s3 =	sadd.s32 s19, s1  }
0x9a: {  	[timem:s5], [sflag:s20] =	dma.local [hbm:s3], s18  }
0x9b: {  	_ =	swait.ge [sflag:s20], s18  }
0x9c: {  	s2 =	ssub.s32 $0x0, s18;
	[sflag:s20] =	ssyncset.done $0x0  }
0x9d: {  	[sflag:s20] =	ssyncadd.s32 s2;
	_ =	sdelay $0x1  }
0x9e: {  	s21 =	simm.s32 $0x1B8B  }
0x9f: {  	_ =	swait.ge [sflag:s21], $0x1  }
0xa0: {  	[sflag:s21] =	ssyncset.done $0x0  }
0xa1: {  	s23 =	simm.s32 $0x1B8E;
	s22 =	sld [smem:$0x3FFE];
	[sflag:s21] =	ssyncadd.s32 $0xFFFFFFFF  }
0xa2: {  	s24 =	simm.s32 $execute0_lowered;
	[smem:$0x3FD2] =	sst s23  }
0xa3: {  	s3 =	sshll.u32 s24, $0x1;
	_ =	strace $0x80000046;
	[dreg:$0x1] =	wrdreg $0xFFFFFFFF  }
0xa4: {  	s25 =	simm.s32 $_size_execute0_lowered;
	s1 =	sadd.s32 s1, s3;
	[dreg:$0x0] =	wrdreg $0x0  }
0xa5: {  	s3 =	sshll.u32 s25, $0x1;
	[dreg:$0x2] =	wrdreg s1  }
0xa6: {  	[dreg:$0x3] =	wrdreg s3  }
0xa7: {  	[dreg:$0x4] =	wrdreg $0xC0  }
0xa8: {  	_ =	task [dreg:s5], $0x5FFFF  }
0xa9: {  	[dreg:$0x1] =	wrdreg $0xFFFFFFFF  }
0xaa: {  	[dreg:$0x0] =	wrdreg $0x60  }
0xab: {  	[dreg:$0x2] =	wrdreg s22  }
0xac: {  	[dreg:$0x3] =	wrdreg s0  }
0xad: {  	[dreg:$0x4] =	wrdreg $0xA  }
0xae: {  	_ =	task.clear_ibuf [dreg:s5], $0x5FFFF;
	_ =	strace $0x90000046  }
0xaf: {  	s26 =	simm.s32 $0xA;
	_ =	strace $0x80000048  }
0xb0: {  	_ =	swait.ge [sflag:s26], $0x1  }
0xb1: {  	[sflag:s26] =	ssyncadd.s32 $0xFFFFFFFF  }
0xb2: {  	_ =	strace $0x90000048  }
0xb3: {  	_ =	sfence  }
0xb4: {  	s28 =	sld [smem:$0x0];
	_ =	sdelay $0x1  }
0xb5: {  	s29 =	srdreg.scid  }
0xb6: {  	s30 =	sshll.u32 s29, $0xD;
	s31 =	sshrl.u32 s29, $0x2  }
0xb7: {  	s2 =	sand.u32 $0x4000, s30;
	s1 =	sand.u32 $0x1, s29;
	s0 =	sadd.s32 s31, s28  }
0xb8: {  	s1 =	sor.u32 s2, s1;
	s0 =	sshll.u32 s0, $0x11  }
0xb9: {  	s0 =	sor.u32 s0, s1  }
0xba: {  	s0 =	sadd.s32 $0x8F2B, s0  }
0xbb: {  	[sflag:s0] =	ssyncadd.remote.s32 $0x1  }
0xbc: {  	_ =	sfence.sel $0xFFFF  }
0xbd: {  	[dreg:$0x0] =	wrdreg $0xFFFFFFFF;
	(pc) =	sbr.abs _section_cstart, $3  }
0xbe: {  	[dreg:$0x1] =	wrdreg $0xFFFFFFFF  }
0xbf: {  	_ =	task.clear_ibuf [dreg:s5], $0x2FFFF;
	_ =	strace $0x9FFFFFFF  }
0xc0: {  	(tm) =	ssettm $0x7FFFFFFF  }
0xc1: {  	_ =	shalt  }
tec
execute0_lowered:
.L_overlay_start_1:
0x0: {  	(tag) =	ssettag $0x1  }
0x1: {  	s0 =	stileid.u32  }
0x2: {  	s1 =	smin.u32 s0, $0x9  }
0x3: {  	s1 =	sadd.s32 s0, s1  }
0x4: {  	s2 =	simm.s32 $0xA0;
	p0 =	slt.u32 s0, $0x9;
	s1 =	smul.u32 $0x50, s1  }
0x5: {  	s2 =	simm.s32 @!p0 $0x50  }
0x6: {  	s2 =	sadd.s32 s2, s1  }
0x7: {  	s3 =	smin.u32 s2, $0x7D0  }
0x8: {  	s7 =	ssub.s32 s3, s1  }
0x9: {  	p0 =	sgt.s32 s7, $0x0  }
0xa: {  	s7 =	simm.s32 @!p0 $0x0  }
0xb: {  	s4 =	rddreg [dreg:$0x0];
	s31 =	smul.u32 $0xCCCD, s7  }
0xc: {  	s5 =	rddreg [dreg:$0x1]  }
0xd: {  	s6 =	simm.s32 $0x1;
	s10 =	simm.s32 $0x3;
	s8 =	sshrl.u32 s31, $0x16  }
0xe: {  	s13 =	simm.s32 $0x0;
	s12 =	simm.s32 $0x0;
	s9 =	smul.u32 $0x50, s8  }
.Ltmp0:
0xf: {  	s11 =	smov.u32 s1;
	s2 =	rddreg [dreg:$0x2];
	(pc) =	sbr.rel .LBB2_1-.Ltmp0, $4  }
0x10: {  	_ =	strace $0x80000047;
	p0 =	sne.s32 s7, s9;
	s9 =	simm.s32 $0x1  }
0x11: {  	[sflag:s6] =	ssyncpa.u1 $0x0;
	s7 =	simm.s32 $0x2;
	s9 =	simm.s32 @!p0 $0x0  }
0x12: {  	[sflag:s7] =	ssyncpa.u1 $0x0;
	p0 =	por $0x0, $0x0;
	s8 =	sadd.s32 s8, s9  }
0x13: {  	vm0 =	vmmov $0xff;
	vm1 =	vcmask $0x3F20;
	s9 =	sadd.s32 $0x186A00, s4;
	[sflag:s10] =	ssyncpa.u1 $0x0;
	s10 =	sadd.s32 $0x1, s8  }
.LBB2_6:
0x14: {  	[hbm:s17] =	stream.linear.scatter [tilespmem:s14], [sflag:$0x3], $0x400, $0x38;
	[tilespmem:$0x50A0] =	vst v63  }
.LBB2_7:
0x15: {  	s13 =	sadd.s32 $0x50, s11  }
0x16: {  	s15 =	smov.u32 s1;
	p2 =	slt.s32 s13, s3  }
0x17: {  	s15 =	smov.u32 @p2 s13;
	p2 =	sne.s32 s12, s10  }
.Ltmp1:
0x18: {  	p1 =	slt.u32 s12, $0x2;
	(pc) =	sbr.rel @!p2 .LBB2_8-.Ltmp1, $4  }
0x19: {  	s14 =	simm.s32 @!p1 $0x3  }
0x1a: {  	s16 =	sadd.s32 $0x1, s12;
	_ =	swait.ge @!p1 [sflag:s14], $0x2800  }
0x1b: {  	p0 =	por !p0, !p0;
	s13 =	smov.u32 s11;
	[sflag:s14] =	ssyncset.done @!p1 $0x0  }
0x1c: {  	s12 =	smov.u32 s16;
	s11 =	smov.u32 s15;
	[sflag:s14] =	ssyncadd.s32 @!p1 $0xFFFFD800  }
.LBB2_1:
0x1d: {  	p1 =	sge.u32 s12, s8  }
0x1e: {  	s14 =	sxor.u32 @!p1 $0xFFFFFFFF, s12  }
0x1f: {  	s14 =	sand.u32 @!p1 $0x1, s14  }
0x20: {  	s14 =	smul.u32 @!p1 $0x140, s14  }
0x21: {  	s31 =	sadd.s32 $0xFFFFFFFF, s12;
	s15 =	sshrl.u32 @!p1 s11, $0x3  }
0x22: {  	s16 =	sand.u32 @!p1 $0x7, s11;
	s15 =	sadd.s32 @!p1 s5, s15;
	s14 =	sshrl.u32 @!p1 s14, $0x2  }
0x23: {  	[tilespmem:s14], [sflag:$0x2] =	stream.linear.gather @!p1 [hbm4b:s15+s16], $0x50, $0x38;
	[tilespmem:$0x50A0] =	vst v63  }
0x24: {  	p1 =	sge.u32 s31, s8  }
.Ltmp2:
0x25: {  	_ = 	snop;
	(pc) =	sbr.rel @p1 .LBB2_7-.Ltmp2, $1  }
0x26: {  	_ =	sdelay $0x3  }
0x27: {  	s14 =	simm.s32 $0x1  }
0x28: {  	s14 =	simm.s32 @!p0 $0x0  }
0x29: {  	s15 =	smul.u32 $0x140, s14  }
0x2a: {  	_ =	swait.ge [sflag:s7], $0x50  }
0x2b: {  	[sflag:s7] =	ssyncset.done $0x0;
	s16 =	sshrl.u32 s15, $0x2  }
0x2c: {  	[sflag:s7] =	ssyncadd.s32 $0xFFFFFFB0;
	s15 =	sadd.s32 $0x0, s16  }
0x2d: {  	v0 =	vld.msk [tilespmem:s15+$0x0 ss:$0x1], $0xffff;
	_ =	sdelay $0x4  }
0x2e: {  	vm2 =	vgt.s32 v0, $0x0  }
0x2f: {  	v0 =	vnsel vm2, $0x0, v0  }
0x30: {  	v0 =	vmin.u32 v0, $0x1869F  }
0x31: {  	v0 =	vshll.u32 v0, $0x4  }
0x32: {  	s14 =	smul.u32 $0xA000, s14;
	_ =	sdelay $0x1  }
0x33: {  	s14 =	sshrl.u32 s14, $0x2  }
0x34: {  	s14 =	sor.u32 $0xA0, s14  }
0x35: {  	[tilespmem:s14], [sflag:$0x1] =	stream.indirect_vreg.gather [hbm:s4], $0x80, v0, vm0, $0x38;
	[tilespmem:$0x50A0] =	vst v63  }
0x36: {  	s17 =	sadd.s32 $0x10, s16;
	s15 =	sadd.s32 $0x400, s14  }
0x37: {  	[tilespmem:s15], [sflag:$0x1] =	stream.indirect_vreg.gather [hbm:s4], $0x80, v0, vm1, $0x38;
	[tilespmem:$0x50A0] =	vst v63  }
0x38: {  	s18 =	simm.s32 $0x80;
	v0 =	vld.msk [tilespmem:s17+$0x0 ss:$0x1], $0xffff;
	s17 =	smov.u32 s14  }
.LBB2_3:
0x39: {  	p1 =	sne.s32 s18, $0x100;
	_ =	sdelay $0x4  }
0x3a: {  	vm2 =	vgt.s32 v0, $0x0  }
0x3b: {  	v0 =	vnsel vm2, $0x0, v0  }
0x3c: {  	v0 =	vmin.u32 v0, $0x1869F  }
0x3d: {  	v0 =	vshll.u32 v0, $0x4;
	_ =	sdelay $0x3  }
.Ltmp3:
0x3e: {  	s19 =	sshra.s32 s18, $0x2;
	s17 =	sadd.s32 $0x800, s17;
	(pc) =	sbr.rel @p1 .LBB2_3-.Ltmp3, $4  }
0x3f: {  	[tilespmem:s17], [sflag:$0x1] =	stream.indirect_vreg.gather [hbm:s4], $0x80, v0, vm0, $0x38;
	[tilespmem:$0x50A0] =	vst v63  }
0x40: {  	s19 =	sadd.s32 s19, s16;
	s20 =	sadd.s32 $0x400, s17  }
0x41: {  	[tilespmem:s20], [sflag:$0x1] =	stream.indirect_vreg.gather [hbm:s4], $0x80, v0, vm1, $0x38;
	[tilespmem:$0x50A0] =	vst v63  }
0x42: {  	s18 =	sadd.s32 $0x40, s18;
	v0 =	vld.msk [tilespmem:s19+$0x0 ss:$0x1], $0xffff  }
0x43: {  	_ =	sdelay $0x3  }
0x44: {  	vm2 =	vgt.s32 v0, $0x0  }
0x45: {  	v0 =	vnsel vm2, $0x0, v0  }
0x46: {  	v0 =	vmin.u32 v0, $0x1869F  }
0x47: {  	v0 =	vshll.u32 v0, $0x4;
	_ =	sdelay $0x3  }
0x48: {  	s16 =	sadd.s32 $0x800, s17  }
0x49: {  	[tilespmem:s16], [sflag:$0x1] =	stream.indirect_vreg.gather [hbm:s4], $0x80, v0, vm0, $0x38;
	[tilespmem:$0x50A0] =	vst v63  }
0x4a: {  	s16 =	sadd.s32 $0x400, s16  }
0x4b: {  	[tilespmem:s16], [sflag:$0x1] =	stream.indirect_vreg.gather [hbm:s4], $0x80, v0, vm1, $0x38;
	[tilespmem:$0x50A0] =	vst v63  }
0x4c: {  	s13 =	sshll.u32 s13, $0x4;
	_ =	swait.ge [sflag:s6], $0x2800  }
0x4d: {  	s13 =	sadd.s32 s13, s9;
	[sflag:s6] =	ssyncset.done $0x0  }
0x4e: {  	s17 =	sadd.s32 $0x0, s13;
	s16 =	simm.s32 $0x80;
	[sflag:s6] =	ssyncadd.s32 $0xFFFFD800  }
.LBB2_5:
0x4f: {  	[hbm:s17] =	stream.linear.scatter [tilespmem:s14], [sflag:$0x3], $0x400, $0x38;
	[tilespmem:$0x50A0] =	vst v63  }
0x50: {  	s17 =	smov.u32 s16;
	s14 =	smov.u32 s15;
	p1 =	sne.s32 s16, $0x480  }
.Ltmp4:
0x51: {  	s16 =	sadd.s32 $0x80, s16;
	(pc) =	sbr.rel @p1 .LBB2_5-.Ltmp4, $2  }
0x52: {  	_ =	sdelay $0x2  }
0x53: {  	s15 =	sadd.s32 $0x400, s15;
	s17 =	sadd.s32 s17, s13  }
.Ltmp5:
0x54: {  	_ = 	snop;
	(pc) =	sbr.rel .LBB2_6-.Ltmp5, $1  }
0x55: {  	_ =	sdelay $0x3  }
.LBB2_8:
0x56: {  	_ =	sfence.sel $0x180000  }
0x57: {  	s1 =	simm.s32 $0x2;
	[bflag:$0x0] =	sbarrier.arrive $0xFFFF  }
0x58: {  	s30 =	simm.s32 $0x3;
	[sflag:s1] =	ssyncpa.u1 $0x1  }
0x59: {  	s31 =	simm.s32 $0x1;
	[sflag:s30] =	ssyncpa.u1 $0x1  }
0x5a: {  	[sflag:s31] =	ssyncpa.u1 $0x1  }
0x5b: {  	p0 =	sne.s32 s0, $0x0;
	_ =	strace $0x90000047  }
0x5c: {  	s0 =	sadd.s32 @!p0 $0x100000, s2;
	[bflag:$0x2] =	sbarrier.arrive $0xFFFF  }
0x5d: {  	[sflag:s0] =	ssyncadd.tile.s32 @!p0 $0x1;
	_ =	shalt  }
.Lfunc_end2:
_tile_overlayer_lowered:
.L_overlay_start_2:
0x5e: {  	(tag) =	ssettag $0x2  }
0x5f: {  	s0 =	rddreg [dreg:$0x0];
	s2 =	stileid.u32  }
0x60: {  	s1 =	rddreg [dreg:$0x1];
	p0 =	sne.s32 s2, $0x0  }
0x61: {  	s3 =	rddreg [dreg:$0x2];
	[bflag:$0x3] =	sbarrier.arrive $0xFFFF;
	s2 =	simm.s32 @!p0 $0x1C01  }
0x62: {  	[timem:s3], [sflag:s2] =	dma.local @!p0 [hbm:s0], s1  }
0x63: {  	s0 =	simm.s32 @!p0 $0x1  }
0x64: {  	_ =	swait.ge @!p0 [sflag:s0], s1  }
0x65: {  	s1 =	ssub.s32 @!p0 $0x0, s1;
	[sflag:s0] =	ssyncset.done @!p0 $0x0  }
0x66: {  	[sflag:s0] =	ssyncadd.s32 @!p0 s1  }
0x67: {  	[bflag:$0x3] =	sbarrier.arrive $0xFFFF  }
0x68: {  	_ =	shalt  }

// kernel: gather_offload_async_start
scs
__scs_entry_jumppad:
0x0: {  	(pc) =	sbr.rel $0x88, $3  }
0x1: {  	(tag) =	ssettag $0x0;
	lr =	simm.s32 $0x1  }
0x2: {  	[smem:$0x3F9E] =	sst lr;
	_ =	strace $0xD0000000  }
0x3: {  	_ = 	snop  }
0x4: {  	_ = 	snop  }
0x5: {  	_ = 	snop  }
0x6: {  	_ = 	snop  }
0x7: {  	_ = 	snop  }
__scs_overlays_trampoline_lowered:
0x8: {  	[smem:$0x3FAD] =	sst s0  }
0x9: {  	[smem:$0x3FAE] =	sst s1  }
0xa: {  	[smem:$0x3FAF] =	sst s2  }
0xb: {  	[smem:$0x3FB0] =	sst s3  }
0xc: {  	[smem:$0x3FB1] =	sst s4  }
0xd: {  	[smem:$0x3FB2] =	sst s5  }
0xe: {  	[smem:$0x3FB3] =	sst s6  }
0xf: {  	[smem:$0x3FB4] =	sst s7  }
0x10: {  	[smem:$0x3FB5] =	sst s8  }
0x11: {  	[smem:$0x3FB6] =	sst s9;
	s0 =	simm.s32 @!p0 $0x0  }
0x12: {  	s1 =	sld [smem:$0x3F9C];
	s0 =	simm.s32 @p0 $0x1  }
0x13: {  	[smem:$0x3FB7] =	sst s0;
	s0 =	simm.s32 @!p1 $0x0  }
0x14: {  	s2 =	sld [smem:$0x3F9B];
	s0 =	simm.s32 @p1 $0x1  }
0x15: {  	[smem:$0x3FB8] =	sst s0;
	s0 =	simm.s32 @!p2 $0x0  }
0x16: {  	s3 =	sld [smem:$0x3FDB];
	s0 =	simm.s32 @p2 $0x1  }
0x17: {  	s4 =	simm.s32 $0x1BF5;
	[smem:$0x3FBA] =	sst s0  }
0x18: {  	s0 =	sld [smem:$0x3F9D];
	_ =	swait.ge [sflag:s4], $0x0  }
0x19: {  	s7 =	sld [smem:$0x3F9E]  }
0x1a: {  	s8 =	sadd.s32 $0xFFFFE003, lr  }
0x1b: {  	s9 =	sadd.s32 $0xFFFFFEF7, lr;
	s5 =	simm.s32 $0xFFFFFFFF;
	p2 =	slt.u32 s8, $0xFFFFF086  }
0x1c: {  	p1 =	slt.u32 s9, $0xF7A;
	s5 =	simm.s32 @!p2 $0x0  }
0x1d: {  	s5 =	simm.s32 @p1 $0x1;
	p0 =	seq.s32 s7, s2  }
0x1e: {  	s7 =	smul.u32 @!p0 $0xF7A, s2;
	p2 =	seq.s32 @!p0 s5, $0x0  }
0x1f: {  	s9 =	smul.u32 $0xF7A, s1;
	s8 =	simm.s32 @!p0 $0x1BF5;
	p2 =	por !p2, p0  }
0x20: {  	[sflag:s8] =	ssyncset.s32 @!p0 $0xFFFFF086;
	s6 =	sadd.s32 @!p0 s3, s7;
	s7 =	simm.s32 @!p0 $0x108  }
0x21: {  	s3 =	sadd.s32 s3, s9;
	s6 =	sadd.s32 @!p0 $0x88, s6;
	s7 =	simm.s32 @p2 $0x1082  }
0x22: {  	[simem:s7], [sflag:s8] =	dma.local @!p0 [hbm:s6], $0xF7A  }
0x23: {  	s9 =	sor.u32 $0xD0000000, s2;
	s6 =	simm.s32 $0x108;
	_ =	swait.ge @!p0 [sflag:s8], $0x0  }
0x24: {  	s3 =	sadd.s32 $0x88, s3;
	s6 =	simm.s32 @!p1 $0x1082;
	[sflag:s4] =	ssyncset.s32 $0xFFFFF086  }
0x25: {  	[simem:s6], [sflag:s4] =	dma.local [hbm:s3], $0xF7A  }
0x26: {  	[smem:$0x3F9E] =	sst s1;
	(tag) =	ssettag s2;
	_ =	strace s9  }
0x27: {  	s1 =	sld [smem:$0x3FAE]  }
0x28: {  	s2 =	sld [smem:$0x3FAF]  }
0x29: {  	s4 =	sld [smem:$0x3FB1]  }
0x2a: {  	p0 =	seq.s32 s5, $0x0;
	s5 =	sld [smem:$0x3FB2]  }
0x2b: {  	s6 =	sld [smem:$0x3FB3]  }
0x2c: {  	s7 =	sld [smem:$0x3FB4]  }
0x2d: {  	s3 =	simm.s32 $0x108;
	s8 =	sld [smem:$0x3FB5]  }
0x2e: {  	s3 =	simm.s32 @!p0 $0x1082;
	s9 =	sld [smem:$0x3FB6]  }
0x2f: {  	lr =	sadd.s32 s0, s3;
	s0 =	sld [smem:$0x3FAD]  }
0x30: {  	s3 =	sld [smem:$0x3FB0]  }
0x31: {  	[smem:$0x3FB9] =	sst s10  }
0x32: {  	s10 =	sld [smem:$0x3FB7];
	_ =	sdelay $0x3  }
0x33: {  	p0 =	seq.s32 s10, $0x1;
	s10 =	sld [smem:$0x3FB9];
	_ =	sdelay $0x3  }
0x34: {  	[smem:$0x3FB9] =	sst s10  }
0x35: {  	s10 =	sld [smem:$0x3FB8];
	_ =	sdelay $0x3  }
0x36: {  	p1 =	seq.s32 s10, $0x1;
	s10 =	sld [smem:$0x3FB9];
	_ =	sdelay $0x3  }
0x37: {  	[smem:$0x3FB9] =	sst s10  }
0x38: {  	s10 =	sld [smem:$0x3FBA]  }
0x39: {  	_ = 	snop;
	(pc) =	sbr.ind lr, $3  }
0x3a: {  	_ = 	snop  }
0x3b: {  	_ = 	snop  }
0x3c: {  	p2 =	seq.s32 s10, $0x1;
	s10 =	sld [smem:$0x3FB9]  }
0x3d: {  	_ =	shalt  }
0x3e: {  	_ =	shalt  }
0x3f: {  	_ =	shalt  }
0x40: {  	_ =	shalt  }
0x41: {  	_ =	shalt  }
0x42: {  	_ =	shalt  }
0x43: {  	_ =	shalt  }
0x44: {  	_ =	shalt  }
0x45: {  	_ =	shalt  }
0x46: {  	_ =	shalt  }
0x47: {  	_ =	shalt  }
0x48: {  	_ =	shalt  }
0x49: {  	_ =	shalt  }
0x4a: {  	_ =	shalt  }
0x4b: {  	_ =	shalt  }
0x4c: {  	_ =	shalt  }
0x4d: {  	_ =	shalt  }
0x4e: {  	_ =	shalt  }
0x4f: {  	_ =	shalt  }
0x50: {  	_ =	shalt  }
0x51: {  	_ =	shalt  }
0x52: {  	_ =	shalt  }
0x53: {  	_ =	shalt  }
0x54: {  	_ =	shalt  }
0x55: {  	_ =	shalt  }
0x56: {  	_ =	shalt  }
0x57: {  	_ =	shalt  }
0x58: {  	_ =	shalt  }
0x59: {  	_ =	shalt  }
0x5a: {  	_ =	shalt  }
0x5b: {  	_ =	shalt  }
0x5c: {  	_ =	shalt  }
0x5d: {  	_ =	shalt  }
0x5e: {  	_ =	shalt  }
0x5f: {  	_ =	shalt  }
0x60: {  	_ =	shalt  }
0x61: {  	_ =	shalt  }
0x62: {  	_ =	shalt  }
0x63: {  	_ =	shalt  }
0x64: {  	_ =	shalt  }
0x65: {  	_ =	shalt  }
0x66: {  	_ =	shalt  }
0x67: {  	_ =	shalt  }
0x68: {  	_ =	shalt  }
0x69: {  	_ =	shalt  }
0x6a: {  	_ =	shalt  }
0x6b: {  	_ =	shalt  }
0x6c: {  	_ =	shalt  }
0x6d: {  	_ =	shalt  }
0x6e: {  	_ =	shalt  }
0x6f: {  	_ =	shalt  }
0x70: {  	_ =	shalt  }
0x71: {  	_ =	shalt  }
0x72: {  	_ =	shalt  }
0x73: {  	_ =	shalt  }
0x74: {  	_ =	shalt  }
0x75: {  	_ =	shalt  }
0x76: {  	_ =	shalt  }
0x77: {  	_ =	shalt  }
0x78: {  	_ =	shalt  }
0x79: {  	_ =	shalt  }
0x7a: {  	_ =	shalt  }
0x7b: {  	_ =	shalt  }
0x7c: {  	_ =	shalt  }
0x7d: {  	_ =	shalt  }
0x7e: {  	_ =	shalt  }
0x7f: {  	_ =	shalt  }
0x80: {  	_ =	shalt  }
0x81: {  	_ =	shalt  }
0x82: {  	_ =	shalt  }
0x83: {  	_ =	shalt  }
0x84: {  	_ =	shalt  }
0x85: {  	_ =	shalt  }
0x86: {  	_ =	shalt  }
0x87: {  	_ =	shalt  }
.Lfunc_end0:
.L_simem_size_0:
called_computation_lowered:
.L_overlay_start_0:
0x88: {  	s0 =	sld [smem:$0x3FD9]  }
0x89: {  	s1 =	sld [smem:$0x3FFE];
	_ =	sdelay $0x3  }
0x8a: {  	s0 =	sadd.s32 s1, s0  }
0x8b: {  	[smem:$0x3FC5] =	sst s0  }
0x8c: {  	_ = 	snop  }
0x8d: {  	s0 =	sld [smem:$0x3FD0];
	(tm) =	ssettm $0x1  }
0x8e: {  	s16 =	sld [smem:$0x3FFB];
	_ =	sdelay $0x3  }
0x8f: {  	_ =	strace s16  }
0x90: {  	s1 =	sld [smem:$0x3FFC];
	_ =	sdelay $0x3  }
0x91: {  	_ =	strace s1  }
0x92: {  	s1 =	sld [smem:$0x3FFD];
	_ =	sdelay $0x3  }
0x93: {  	_ =	strace s1  }
0x94: {  	_ =	strace $0x8FFFFFFF  }
0x95: {  	s17 =	sld [smem:$0x3FDB];
	_ =	sdelay $0x1  }
0x96: {  	s2 =	simm.s32 $_scs_section_size  }
0x97: {  	s3 =	simm.s32 $_size__tile_overlayer_lowered;
	s4 =	simm.s32 $_tile_overlayer_lowered  }
0x98: {  	s20 =	simm.s32 $0x1BFF;
	s19 =	sshll.u32 s4, $0x1;
	s1 =	sadd.s32 s2, s17  }
0x99: {  	s5 =	simm.s32 $0x0;
	s18 =	sshll.u32 s3, $0x1;
	s3 =	sadd.s32 s19, s1  }
0x9a: {  	[timem:s5], [sflag:s20] =	dma.local [hbm:s3], s18  }
0x9b: {  	_ =	swait.ge [sflag:s20], s18  }
0x9c: {  	s2 =	ssub.s32 $0x0, s18;
	[sflag:s20] =	ssyncset.done $0x0  }
0x9d: {  	[sflag:s20] =	ssyncadd.s32 s2;
	_ =	sdelay $0x1  }
0x9e: {  	s21 =	simm.s32 $0x1B8B  }
0x9f: {  	_ =	swait.ge [sflag:s21], $0x1  }
0xa0: {  	[sflag:s21] =	ssyncset.done $0x0  }
0xa1: {  	s23 =	simm.s32 $0x1B8E;
	s22 =	sld [smem:$0x3FFE];
	[sflag:s21] =	ssyncadd.s32 $0xFFFFFFFF  }
0xa2: {  	s24 =	simm.s32 $execute0_lowered;
	[smem:$0x3FD2] =	sst s23  }
0xa3: {  	s3 =	sshll.u32 s24, $0x1;
	_ =	strace $0x80000049;
	[dreg:$0x1] =	wrdreg $0xFFFFFFFF  }
0xa4: {  	s25 =	simm.s32 $_size_execute0_lowered;
	s1 =	sadd.s32 s1, s3;
	[dreg:$0x0] =	wrdreg $0x0  }
0xa5: {  	s3 =	sshll.u32 s25, $0x1;
	[dreg:$0x2] =	wrdreg s1  }
0xa6: {  	[dreg:$0x3] =	wrdreg s3  }
0xa7: {  	[dreg:$0x4] =	wrdreg $0xC0  }
0xa8: {  	_ =	task [dreg:s5], $0x5FFFF  }
0xa9: {  	[dreg:$0x1] =	wrdreg $0xFFFFFFFF  }
0xaa: {  	[dreg:$0x0] =	wrdreg $0x60  }
0xab: {  	[dreg:$0x2] =	wrdreg s22  }
0xac: {  	[dreg:$0x3] =	wrdreg s0  }
0xad: {  	[dreg:$0x4] =	wrdreg $0x9  }
0xae: {  	_ =	task.clear_ibuf [dreg:s5], $0x5FFFF;
	_ =	strace $0x90000049  }
0xaf: {  	s26 =	simm.s32 $0x9;
	_ =	strace $0x8000004B  }
0xb0: {  	_ =	swait.ge [sflag:s26], $0x1  }
0xb1: {  	[sflag:s26] =	ssyncadd.s32 $0xFFFFFFFF  }
0xb2: {  	_ =	strace $0x9000004B  }
0xb3: {  	_ =	sfence  }
0xb4: {  	s28 =	sld [smem:$0x0];
	_ =	sdelay $0x1  }
0xb5: {  	s29 =	srdreg.scid  }
0xb6: {  	s30 =	sshll.u32 s29, $0xD;
	s31 =	sshrl.u32 s29, $0x2  }
0xb7: {  	s2 =	sand.u32 $0x4000, s30;
	s1 =	sand.u32 $0x1, s29;
	s0 =	sadd.s32 s31, s28  }
0xb8: {  	s1 =	sor.u32 s2, s1;
	s0 =	sshll.u32 s0, $0x11  }
0xb9: {  	s0 =	sor.u32 s0, s1  }
0xba: {  	s0 =	sadd.s32 $0x8F2B, s0  }
0xbb: {  	[sflag:s0] =	ssyncadd.remote.s32 $0x1  }
0xbc: {  	_ =	sfence.sel $0xFFFF  }
0xbd: {  	[dreg:$0x0] =	wrdreg $0xFFFFFFFF;
	(pc) =	sbr.abs _section_cstart, $3  }
0xbe: {  	[dreg:$0x1] =	wrdreg $0xFFFFFFFF  }
0xbf: {  	_ =	task.clear_ibuf [dreg:s5], $0x2FFFF;
	_ =	strace $0x9FFFFFFF  }
0xc0: {  	(tm) =	ssettm $0x7FFFFFFF  }
0xc1: {  	_ =	shalt  }
tec
execute0_lowered:
.L_overlay_start_1:
0x0: {  	(tag) =	ssettag $0x1  }
0x1: {  	s0 =	stileid.u32  }
0x2: {  	s1 =	smin.u32 s0, $0x9  }
0x3: {  	s1 =	sadd.s32 s0, s1  }
0x4: {  	s2 =	simm.s32 $0xA0;
	p0 =	slt.u32 s0, $0x9;
	s1 =	smul.u32 $0x50, s1  }
0x5: {  	s2 =	simm.s32 @!p0 $0x50  }
0x6: {  	s2 =	sadd.s32 s2, s1  }
0x7: {  	s3 =	smin.u32 s2, $0x7D0  }
0x8: {  	s7 =	ssub.s32 s3, s1  }
0x9: {  	p0 =	sgt.s32 s7, $0x0  }
0xa: {  	s7 =	simm.s32 @!p0 $0x0  }
0xb: {  	s9 =	rddreg [dreg:$0x0];
	s31 =	smul.u32 $0xCCCD, s7  }
0xc: {  	s4 =	rddreg [dreg:$0x1];
	s6 =	simm.s32 $0x1  }
0xd: {  	s11 =	simm.s32 $0x3;
	s13 =	simm.s32 $0x0;
	s8 =	sshrl.u32 s31, $0x16  }
0xe: {  	s12 =	simm.s32 $0x0;
	s5 =	sadd.s32 $0x18E800, s9;
	s10 =	smul.u32 $0x50, s8  }
.Ltmp0:
0xf: {  	s9 =	sadd.s32 $0x315200, s9;
	s2 =	rddreg [dreg:$0x2];
	(pc) =	sbr.rel .LBB2_1-.Ltmp0, $4  }
0x10: {  	_ =	strace $0x8000004A;
	p0 =	sne.s32 s7, s10;
	s10 =	simm.s32 $0x1  }
0x11: {  	[sflag:s6] =	ssyncpa.u1 $0x0;
	s7 =	simm.s32 $0x2;
	s10 =	simm.s32 @!p0 $0x0  }
0x12: {  	[sflag:s7] =	ssyncpa.u1 $0x0;
	p0 =	por $0x0, $0x0;
	s8 =	sadd.s32 s8, s10  }
0x13: {  	vm0 =	vmmov $0xff;
	vm1 =	vcmask $0x3F20;
	[sflag:s11] =	ssyncpa.u1 $0x0;
	s11 =	smov.u32 s1;
	s10 =	sadd.s32 $0x1, s8  }
.LBB2_6:
0x14: {  	[hbm:s17] =	stream.linear.scatter [tilespmem:s14], [sflag:$0x3], $0x400, $0x38;
	[tilespmem:$0x50A0] =	vst v63  }
.LBB2_7:
0x15: {  	s13 =	sadd.s32 $0x50, s11  }
0x16: {  	s15 =	smov.u32 s1;
	p2 =	slt.s32 s13, s3  }
0x17: {  	s15 =	smov.u32 @p2 s13;
	p2 =	sne.s32 s12, s10  }
.Ltmp1:
0x18: {  	p1 =	slt.u32 s12, $0x2;
	(pc) =	sbr.rel @!p2 .LBB2_8-.Ltmp1, $4  }
0x19: {  	s14 =	simm.s32 @!p1 $0x3  }
0x1a: {  	s16 =	sadd.s32 $0x1, s12;
	_ =	swait.ge @!p1 [sflag:s14], $0x2800  }
0x1b: {  	p0 =	por !p0, !p0;
	s13 =	smov.u32 s11;
	[sflag:s14] =	ssyncset.done @!p1 $0x0  }
0x1c: {  	s12 =	smov.u32 s16;
	s11 =	smov.u32 s15;
	[sflag:s14] =	ssyncadd.s32 @!p1 $0xFFFFD800  }
.LBB2_1:
0x1d: {  	p1 =	sge.u32 s12, s8  }
0x1e: {  	s14 =	sxor.u32 @!p1 $0xFFFFFFFF, s12  }
0x1f: {  	s14 =	sand.u32 @!p1 $0x1, s14  }
0x20: {  	s14 =	smul.u32 @!p1 $0x140, s14  }
0x21: {  	s31 =	sadd.s32 $0xFFFFFFFF, s12;
	s15 =	sshrl.u32 @!p1 s11, $0x3  }
0x22: {  	s16 =	sand.u32 @!p1 $0x7, s11;
	s15 =	sadd.s32 @!p1 s4, s15;
	s14 =	sshrl.u32 @!p1 s14, $0x2  }
0x23: {  	[tilespmem:s14], [sflag:$0x2] =	stream.linear.gather @!p1 [hbm4b:s15+s16], $0x50, $0x38;
	[tilespmem:$0x50A0] =	vst v63  }
0x24: {  	p1 =	sge.u32 s31, s8  }
.Ltmp2:
0x25: {  	_ = 	snop;
	(pc) =	sbr.rel @p1 .LBB2_7-.Ltmp2, $1  }
0x26: {  	_ =	sdelay $0x3  }
0x27: {  	s14 =	simm.s32 $0x1  }
0x28: {  	s14 =	simm.s32 @!p0 $0x0  }
0x29: {  	s15 =	smul.u32 $0x140, s14  }
0x2a: {  	_ =	swait.ge [sflag:s7], $0x50  }
0x2b: {  	[sflag:s7] =	ssyncset.done $0x0;
	s16 =	sshrl.u32 s15, $0x2  }
0x2c: {  	[sflag:s7] =	ssyncadd.s32 $0xFFFFFFB0;
	s15 =	sadd.s32 $0x0, s16  }
0x2d: {  	v0 =	vld.msk [tilespmem:s15+$0x0 ss:$0x1], $0xffff;
	_ =	sdelay $0x4  }
0x2e: {  	vm2 =	vgt.s32 v0, $0x0  }
0x2f: {  	v0 =	vnsel vm2, $0x0, v0  }
0x30: {  	v0 =	vmin.u32 v0, $0x1869F  }
0x31: {  	v0 =	vshll.u32 v0, $0x4  }
0x32: {  	s14 =	smul.u32 $0xA000, s14;
	_ =	sdelay $0x1  }
0x33: {  	s14 =	sshrl.u32 s14, $0x2  }
0x34: {  	s14 =	sor.u32 $0xA0, s14  }
0x35: {  	[tilespmem:s14], [sflag:$0x1] =	stream.indirect_vreg.gather [hbm:s5], $0x80, v0, vm0, $0x38;
	[tilespmem:$0x50A0] =	vst v63  }
0x36: {  	s17 =	sadd.s32 $0x10, s16;
	s15 =	sadd.s32 $0x400, s14  }
0x37: {  	[tilespmem:s15], [sflag:$0x1] =	stream.indirect_vreg.gather [hbm:s5], $0x80, v0, vm1, $0x38;
	[tilespmem:$0x50A0] =	vst v63  }
0x38: {  	s18 =	simm.s32 $0x80;
	v0 =	vld.msk [tilespmem:s17+$0x0 ss:$0x1], $0xffff;
	s17 =	smov.u32 s14  }
.LBB2_3:
0x39: {  	p1 =	sne.s32 s18, $0x100;
	_ =	sdelay $0x4  }
0x3a: {  	vm2 =	vgt.s32 v0, $0x0  }
0x3b: {  	v0 =	vnsel vm2, $0x0, v0  }
0x3c: {  	v0 =	vmin.u32 v0, $0x1869F  }
0x3d: {  	v0 =	vshll.u32 v0, $0x4;
	_ =	sdelay $0x3  }
.Ltmp3:
0x3e: {  	s19 =	sshra.s32 s18, $0x2;
	s17 =	sadd.s32 $0x800, s17;
	(pc) =	sbr.rel @p1 .LBB2_3-.Ltmp3, $4  }
0x3f: {  	[tilespmem:s17], [sflag:$0x1] =	stream.indirect_vreg.gather [hbm:s5], $0x80, v0, vm0, $0x38;
	[tilespmem:$0x50A0] =	vst v63  }
0x40: {  	s19 =	sadd.s32 s19, s16;
	s20 =	sadd.s32 $0x400, s17  }
0x41: {  	[tilespmem:s20], [sflag:$0x1] =	stream.indirect_vreg.gather [hbm:s5], $0x80, v0, vm1, $0x38;
	[tilespmem:$0x50A0] =	vst v63  }
0x42: {  	s18 =	sadd.s32 $0x40, s18;
	v0 =	vld.msk [tilespmem:s19+$0x0 ss:$0x1], $0xffff  }
0x43: {  	_ =	sdelay $0x3  }
0x44: {  	vm2 =	vgt.s32 v0, $0x0  }
0x45: {  	v0 =	vnsel vm2, $0x0, v0  }
0x46: {  	v0 =	vmin.u32 v0, $0x1869F  }
0x47: {  	v0 =	vshll.u32 v0, $0x4;
	_ =	sdelay $0x3  }
0x48: {  	s16 =	sadd.s32 $0x800, s17  }
0x49: {  	[tilespmem:s16], [sflag:$0x1] =	stream.indirect_vreg.gather [hbm:s5], $0x80, v0, vm0, $0x38;
	[tilespmem:$0x50A0] =	vst v63  }
0x4a: {  	s16 =	sadd.s32 $0x400, s16  }
0x4b: {  	[tilespmem:s16], [sflag:$0x1] =	stream.indirect_vreg.gather [hbm:s5], $0x80, v0, vm1, $0x38;
	[tilespmem:$0x50A0] =	vst v63  }
0x4c: {  	s13 =	sshll.u32 s13, $0x4;
	_ =	swait.ge [sflag:s6], $0x2800  }
0x4d: {  	s13 =	sadd.s32 s13, s9;
	[sflag:s6] =	ssyncset.done $0x0  }
0x4e: {  	s17 =	sadd.s32 $0x0, s13;
	s16 =	simm.s32 $0x80;
	[sflag:s6] =	ssyncadd.s32 $0xFFFFD800  }
.LBB2_5:
0x4f: {  	[hbm:s17] =	stream.linear.scatter [tilespmem:s14], [sflag:$0x3], $0x400, $0x38;
	[tilespmem:$0x50A0] =	vst v63  }
0x50: {  	s17 =	smov.u32 s16;
	s14 =	smov.u32 s15;
	p1 =	sne.s32 s16, $0x480  }
.Ltmp4:
0x51: {  	s16 =	sadd.s32 $0x80, s16;
	(pc) =	sbr.rel @p1 .LBB2_5-.Ltmp4, $2  }
0x52: {  	_ =	sdelay $0x2  }
0x53: {  	s15 =	sadd.s32 $0x400, s15;
	s17 =	sadd.s32 s17, s13  }
.Ltmp5:
0x54: {  	_ = 	snop;
	(pc) =	sbr.rel .LBB2_6-.Ltmp5, $1  }
0x55: {  	_ =	sdelay $0x3  }
.LBB2_8:
0x56: {  	_ =	sfence.sel $0x180000  }
0x57: {  	s1 =	simm.s32 $0x2;
	[bflag:$0x0] =	sbarrier.arrive $0xFFFF  }
0x58: {  	s30 =	simm.s32 $0x3;
	[sflag:s1] =	ssyncpa.u1 $0x1  }
0x59: {  	s31 =	simm.s32 $0x1;
	[sflag:s30] =	ssyncpa.u1 $0x1  }
0x5a: {  	[sflag:s31] =	ssyncpa.u1 $0x1  }
0x5b: {  	p0 =	sne.s32 s0, $0x0;
	_ =	strace $0x9000004A  }
0x5c: {  	s0 =	sadd.s32 @!p0 $0x100000, s2;
	[bflag:$0x2] =	sbarrier.arrive $0xFFFF  }
0x5d: {  	[sflag:s0] =	ssyncadd.tile.s32 @!p0 $0x1;
	_ =	shalt  }
.Lfunc_end2:
_tile_overlayer_lowered:
.L_overlay_start_2:
0x5e: {  	(tag) =	ssettag $0x2  }
0x5f: {  	s0 =	rddreg [dreg:$0x0];
	s2 =	stileid.u32  }
0x60: {  	s1 =	rddreg [dreg:$0x1];
	p0 =	sne.s32 s2, $0x0  }
0x61: {  	s3 =	rddreg [dreg:$0x2];
	[bflag:$0x3] =	sbarrier.arrive $0xFFFF;
	s2 =	simm.s32 @!p0 $0x1C01  }
0x62: {  	[timem:s3], [sflag:s2] =	dma.local @!p0 [hbm:s0], s1  }
0x63: {  	s0 =	simm.s32 @!p0 $0x1  }
0x64: {  	_ =	swait.ge @!p0 [sflag:s0], s1  }
0x65: {  	s1 =	ssub.s32 @!p0 $0x0, s1;
	[sflag:s0] =	ssyncset.done @!p0 $0x0  }
0x66: {  	[sflag:s0] =	ssyncadd.s32 @!p0 s1  }
0x67: {  	[bflag:$0x3] =	sbarrier.arrive $0xFFFF  }
0x68: {  	_ =	shalt  }

</sc_bundles>
